<compile_context>
chip_gen: v7x
topology: tpu7x:2x2x1
jax: 0.10.2.dev20260603
libtpu: 0.0.44.dev20260713+nightly
codegen_flags: <defaults>
</compile_context>

<pallas_src>
import functools

import jax
import jax.numpy as jnp
import numpy as np
from jax import lax
from jax.experimental import pallas as pl
from jax.experimental.pallas import tpu as pltpu
from jax.experimental.pallas import tpu_sc as plsc

H_F, W_F = 720, 1440
H_C, W_C = 180, 360
FACT = 4
B = 8
LAMBDA_W = 1.0
LAMBDA_PC = 10.0
LAMBDA_R = 0.01
ALPHA_SMOOTH = 0.1

ROWS = 720
CR = ROWS // FACT
NSTEPS = H_F // ROWS

NF = B * H_F * W_F
NC = B * H_C * W_C
N_LAT = B * (H_C - 1) * W_C
N_LON = B * H_C * (W_C - 1)

C_R2 = FACT * FACT * LAMBDA_W / NF + LAMBDA_R / NC
C_LAT = LAMBDA_R * ALPHA_SMOOTH / N_LAT
C_LON = LAMBDA_R * ALPHA_SMOOTH / N_LON

N_TILES = 32
CHUNK = (B * H_C * W_C) // N_TILES
HALO = 376
NVEC_FULL = CHUNK // 16
TAIL = CHUNK - NVEC_FULL * 16
NVEC_NOLAT = (CHUNK - W_C) // 16
BUF = CHUNK + HALO


def _tc_kernel(p_ref, d_ref, r_ref, pc_ref, mr_ref, mc_ref, out_ref):
    b = pl.program_id(0)
    j = pl.program_id(1)

    p = p_ref[0]
    e = d_ref[0] + p

    mr = mr_ref[...]
    mc = mc_ref[...]
    ones_row = jnp.ones((1, ROWS), jnp.float32)
    tq = jnp.dot(ones_row, e * e, preferred_element_type=jnp.float32)
    s_e2 = jnp.sum(tq)
    pe = jnp.dot(jnp.dot(mr, e, preferred_element_type=jnp.float32), mc,
                 preferred_element_type=jnp.float32)
    pp = jnp.dot(jnp.dot(mr, p, preferred_element_type=jnp.float32), mc,
                 preferred_element_type=jnp.float32)

    r_blk = r_ref[b, j]
    pc_blk = pc_ref[b, j]
    cross = jnp.sum(r_blk * pe)
    s_pc = jnp.sum((pp * (1.0 / (FACT * FACT)) - pc_blk) ** 2)

    contrib = (
        (s_e2 - 2.0 * cross) * (LAMBDA_W / NF)
        + s_pc * (LAMBDA_PC / NC)
    )

    @pl.when(jnp.logical_and(b == 0, j == 0))
    def _init():
        out_ref[...] = jnp.zeros((1, 1), jnp.float32)

    out_ref[...] += jnp.full((1, 1), contrib, jnp.float32)


def _sc_kernel(r_hbm, wlon_hbm, out_hbm, buf, wl, accv, sem):
    wid = lax.axis_index("s") * 2 + lax.axis_index("c")
    base = wid * CHUNK
    m3 = lax.rem(wid, 4)
    lat_on = jnp.where(m3 == 3, 0.0, 1.0)

    halo_src = jnp.where(m3 == 3, 0, base + CHUNK)
    pltpu.sync_copy(r_hbm.at[pl.ds(base, CHUNK)], buf.at[pl.ds(0, CHUNK)])
    pltpu.sync_copy(r_hbm.at[pl.ds(halo_src, HALO)],
                    buf.at[pl.ds(CHUNK, HALO)])
    pltpu.sync_copy(wlon_hbm, wl)

    def body_all(v, acc):
        t = jnp.zeros((16,), jnp.float32)
        for u in range(2):
            off = (v * 2 + u) * 16
            cur = buf[pl.ds(off, 16)]
            n1 = buf[pl.ds(off + 1, 16)]
            n360 = buf[pl.ds(off + W_C, 16)]
            wv = wl[pl.ds(lax.rem(off, 720), 16)]
            d1 = n1 - cur
            d2 = n360 - cur
            t = t + cur * cur * C_R2 + d1 * d1 * wv + d2 * d2 * C_LAT
        return acc + t

    acc = lax.fori_loop(0, NVEC_NOLAT // 2, body_all,
                        jnp.zeros((16,), jnp.float32))

    lat_c = jnp.broadcast_to(lat_on * C_LAT, (16,))

    def body_edge(v, acc):
        off = v * 16
        cur = buf[pl.ds(off, 16)]
        n1 = buf[pl.ds(off + 1, 16)]
        n360 = buf[pl.ds(off + W_C, 16)]
        wv = wl[pl.ds(lax.rem(off, 720), 16)]
        d1 = n1 - cur
        d2 = n360 - cur
        return acc + cur * cur * C_R2 + d1 * d1 * wv + d2 * d2 * lat_c

    acc = lax.fori_loop(NVEC_NOLAT, NVEC_FULL, body_edge, acc)

    off = NVEC_FULL * 16
    iota_f = lax.iota(jnp.int32, 16).astype(jnp.float32)
    validf = jnp.clip(jnp.float32(TAIL) - iota_f, 0.0, 1.0)
    valid1f = jnp.clip(jnp.float32(TAIL - 1) - iota_f, 0.0, 1.0)
    cur = buf[pl.ds(off, 16)]
    d1 = (buf[pl.ds(off + 1, 16)] - cur) * valid1f
    d2 = (buf[pl.ds(off + W_C, 16)] - cur) * validf
    wv = wl[pl.ds(off % 720, 16)]
    acc = (acc + cur * cur * validf * C_R2 + d1 * d1 * wv
           + d2 * d2 * validf * lat_c)

    accv[...] = acc
    pltpu.sync_copy(accv, out_hbm.at[wid])


def _sc_coarse_terms(r_flat, wlon):
    mesh = plsc.VectorSubcoreMesh(core_axis_name="c", subcore_axis_name="s")
    run = functools.partial(
        pl.kernel,
        mesh=mesh,
        out_type=jax.ShapeDtypeStruct((N_TILES, 16), jnp.float32),
        scratch_types=[
            pltpu.VMEM((BUF,), jnp.float32),
            pltpu.VMEM((720,), jnp.float32),
            pltpu.VMEM((16,), jnp.float32),
            pltpu.SemaphoreType.DMA,
        ],
    )(_sc_kernel)
    return run(r_flat, wlon)


def kernel(P_hat, R_app_hat, dW_obs, P_c_obs, Ac_rows, Ac_cols, Ac_vals,
           Ic_rows, Ic_cols, Ic_vals):
    mr = jnp.asarray(np.arange(CR)[:, None] == np.arange(ROWS)[None, :] // FACT,
                     dtype=jnp.float32)
    mc = jnp.asarray(np.arange(W_F)[:, None] // FACT == np.arange(W_C)[None, :],
                     dtype=jnp.float32)
    r4 = R_app_hat.reshape(B, NSTEPS, CR, W_C)
    pc4 = P_c_obs.reshape(B, NSTEPS, CR, W_C)

    wlon = jnp.asarray(np.where(np.arange(720) % W_C == W_C - 1, 0.0, C_LON),
                       dtype=jnp.float32)

    tc_out = pl.pallas_call(
        _tc_kernel,
        grid=(B, NSTEPS),
        in_specs=[
            pl.BlockSpec((1, ROWS, W_F), lambda b, j: (b, j, 0)),
            pl.BlockSpec((1, ROWS, W_F), lambda b, j: (b, j, 0)),
            pl.BlockSpec((B, NSTEPS, CR, W_C), lambda b, j: (0, 0, 0, 0)),
            pl.BlockSpec((B, NSTEPS, CR, W_C), lambda b, j: (0, 0, 0, 0)),
            pl.BlockSpec((CR, ROWS), lambda b, j: (0, 0)),
            pl.BlockSpec((W_F, W_C), lambda b, j: (0, 0)),
        ],
        out_specs=pl.BlockSpec((1, 1), lambda b, j: (0, 0)),
        out_shape=jax.ShapeDtypeStruct((1, 1), jnp.float32),
    )(P_hat, dW_obs, r4, pc4, mr, mc)

    sc_part = _sc_coarse_terms(R_app_hat.reshape(-1), wlon)
    return tc_out[0, 0] + jnp.sum(sc_part)

# --- scband reference (transcript-rebuilt; emitter-appended) ---
"""Pipeline reference for scband-budget-loss-exact-34273839022725 (READ-ONLY COPY).

The authoritative reference and input builder live on the scoring server;
editing this copy changes nothing except your own understanding.
"""

import jax, jax.numpy as jnp
import numpy as np

H_F, W_F = 720, 1440
H_C, W_C = 180, 360
FACT = 4
B = 8
LAMBDA_W = 1.0
LAMBDA_PC = 10.0
LAMBDA_R = 0.01
ALPHA_SMOOTH = 0.1


def _build_ops():
    fi = np.arange(H_F * W_F, dtype=np.int64)
    r = fi // W_F
    c = fi % W_F
    ci = (r // FACT) * W_C + (c // FACT)
    Ac_rows = ci.astype(np.int32)
    Ac_cols = fi.astype(np.int32)
    Ac_vals = np.full(fi.shape, 1.0 / (FACT * FACT), dtype=np.float32)
    Ic_rows = fi.astype(np.int32)
    Ic_cols = ci.astype(np.int32)
    Ic_vals = np.ones(fi.shape, dtype=np.float32)
    return Ac_rows, Ac_cols, Ac_vals, Ic_rows, Ic_cols, Ic_vals


def setup_inputs(seed: int = 0) -> dict:
    key = jax.random.key(seed)
    k1, k2, k3, k4 = jax.random.split(key, 4)
    P_hat = jax.random.normal(k1, (B, H_F, W_F), dtype=jnp.float32)
    R_app_hat = jax.random.normal(k2, (B, H_C, W_C), dtype=jnp.float32) * 0.1
    dW_obs = jax.random.normal(k3, (B, H_F, W_F), dtype=jnp.float32)
    P_c_obs = jax.random.normal(k4, (B, H_C, W_C), dtype=jnp.float32)
    Ac_rows, Ac_cols, Ac_vals, Ic_rows, Ic_cols, Ic_vals = _build_ops()
    return {
        "P_hat": P_hat,
        "R_app_hat": R_app_hat,
        "dW_obs": dW_obs,
        "P_c_obs": P_c_obs,
        "Ac_rows": jnp.asarray(Ac_rows),
        "Ac_cols": jnp.asarray(Ac_cols),
        "Ac_vals": jnp.asarray(Ac_vals),
        "Ic_rows": jnp.asarray(Ic_rows),
        "Ic_cols": jnp.asarray(Ic_cols),
        "Ic_vals": jnp.asarray(Ic_vals),
    }


def _spmm_batch(rows, cols, vals, dense, n_rows):
    # sparse (M,N) @ dense (B,N).T -> (B,M)
    gathered = dense[:, cols] * vals[None, :]  # (B, nnz) gather
    out = jax.ops.segment_sum(gathered.T, rows, num_segments=n_rows)  # (M, B) scatter-add
    return out.T


def _smoothness_loss(field):
    grad_lat = field[..., 1:, :] - field[..., :-1, :]
    grad_lon = field[..., :, 1:] - field[..., :, :-1]
    return (grad_lat ** 2).mean() + (grad_lon ** 2).mean()


def reference(P_hat, R_app_hat, dW_obs, P_c_obs, Ac_rows, Ac_cols, Ac_vals, Ic_rows, Ic_cols, Ic_vals):
    batch = P_hat.shape[0]
    P_flat = P_hat.reshape(batch, -1)
    R_flat = R_app_hat.reshape(batch, -1)
    P_coarse = _spmm_batch(Ac_rows, Ac_cols, Ac_vals, P_flat, H_C * W_C).reshape(batch, H_C, W_C)
    R_fine = _spmm_batch(Ic_rows, Ic_cols, Ic_vals, R_flat, H_F * W_F).reshape(batch, H_F, W_F)
    dW_pred = R_fine - P_hat
    L_W = ((dW_obs - dW_pred) ** 2).mean()
    L_Pc = ((P_coarse - P_c_obs) ** 2).mean()
    L_R_amp = (R_app_hat ** 2).mean()
    L_R_smooth = _smoothness_loss(R_app_hat)
    L_R = L_R_amp + ALPHA_SMOOTH * L_R_smooth
    loss = LAMBDA_W * L_W + LAMBDA_PC * L_Pc + LAMBDA_R * L_R
    return loss

if __name__ == "__main__":
    import jax
    _d = setup_inputs()
    print(jax.jit(kernel)(*tuple(_d.values())))

</pallas_src>

<mosaic_0001>
#map = affine_map<(d0, d1) -> (0)>
#map1 = affine_map<(d0, d1) -> (0, 0)>
module attributes {stable_mosaic.version = 14 : i64} {
  func.func @_sc_kernel(%arg0: i32, %arg1: i32, %arg2: memref<518400xf32, #tpu.memory_space<hbm>>, %arg3: memref<720xf32, #tpu.memory_space<hbm>>, %arg4: memref<32x16xf32, #tpu.memory_space<hbm>>, %arg5: memref<16576xf32, #tpu.memory_space<vmem>>, %arg6: memref<720xf32, #tpu.memory_space<vmem>>, %arg7: memref<16xf32, #tpu.memory_space<vmem>>, %arg8: memref<!tpu.dma_semaphore, #tpu.memory_space<semaphore_mem>>) attributes {dimension_semantics = [#tpu.dimension_semantics<core_parallel>, #tpu.dimension_semantics<subcore_parallel>], iteration_bounds = array<i64: 2, 16>, scalar_prefetch = 0 : i64, scratch_operands = 4 : i64, tpu.core_type = #tpu.core_type<sc_vector_subcore>, window_params = [{transform_indices = #map}, {transform_indices = #map}, {transform_indices = #map1}]} {
    %mul3A = arith.constant 2 : i32
    %mul3A_0 = arith.muli %arg1, %mul3A : i32
    %add3A = arith.addi %mul3A_0, %arg0 : i32
    %mul3A_1 = arith.constant 16200 : i32
    %mul3A_2 = arith.muli %add3A, %mul3A_1 : i32
    %rem3A = arith.constant 4 : i32
    %rem3A_3 = arith.remsi %add3A, %rem3A : i32
    %eq3A = arith.constant 3 : i32
    %eq3A_4 = arith.cmpi eq, %rem3A_3, %eq3A : i32
    %jit3A = arith.constant 0.000000e+00 : f32
    %jit3A_5 = arith.constant 1.000000e+00 : f32
    %select_n3A = arith.select %eq3A_4, %jit3A, %jit3A_5 : f32
    %eq3A_6 = arith.constant 3 : i32
    %eq3A_7 = arith.cmpi eq, %rem3A_3, %eq3A_6 : i32
    %add3A_8 = arith.constant 16200 : i32
    %add3A_9 = arith.addi %mul3A_2, %add3A_8 : i32
    %jit3A_10 = arith.constant 0 : i32
    %select_n3A_11 = arith.select %eq3A_7, %jit3A_10, %add3A_9 : i32
    "tpu.region"() ({
      %run_scoped3A = tpu.sem_alloc : memref<!tpu.dma_semaphore, #tpu.memory_space<semaphore_mem>>
      %dma_start3A = arith.constant 0 : i32
      %dma_start3A_73 = tpu.memref_slice %arg5[%dma_start3A] : memref<16576xf32, #tpu.memory_space<vmem>> -> memref<16200xf32, #tpu.memory_space<vmem>>
      %dma_start3A_74 = tpu.memref_slice %arg2[%mul3A_2] : memref<518400xf32, #tpu.memory_space<hbm>> -> memref<16200xf32, #tpu.memory_space<hbm>>
      %dma_start3A_75 = arith.constant 0 : i32
      %dma_start3A_76 = tpu.memref_slice %arg5[%dma_start3A_75] : memref<16576xf32, #tpu.memory_space<vmem>> -> memref<16200xf32, #tpu.memory_space<vmem>>
      %dma_start3A_77 = tpu.memref_slice %arg2[%mul3A_2] : memref<518400xf32, #tpu.memory_space<hbm>> -> memref<16200xf32, #tpu.memory_space<hbm>>
      tpu.enqueue_dma source(%dma_start3A_77 : memref<16200xf32, #tpu.memory_space<hbm>>) target(%dma_start3A_76 : memref<16200xf32, #tpu.memory_space<vmem>>) target_semaphore(%run_scoped3A : memref<!tpu.dma_semaphore, #tpu.memory_space<semaphore_mem>>)
      %dma_wait3A = arith.constant 0 : i32
      %dma_wait3A_78 = tpu.memref_slice %arg5[%dma_wait3A] : memref<16576xf32, #tpu.memory_space<vmem>> -> memref<16200xf32, #tpu.memory_space<vmem>>
      %dma_wait3A_79 = tpu.memref_slice %arg2[%mul3A_2] : memref<518400xf32, #tpu.memory_space<hbm>> -> memref<16200xf32, #tpu.memory_space<hbm>>
      %dma_wait3A_80 = arith.constant 0 : i32
      %dma_wait3A_81 = tpu.memref_slice %arg5[%dma_wait3A_80] : memref<16576xf32, #tpu.memory_space<vmem>> -> memref<16200xf32, #tpu.memory_space<vmem>>
      %dma_wait3A_82 = tpu.memref_slice %arg2[%mul3A_2] : memref<518400xf32, #tpu.memory_space<hbm>> -> memref<16200xf32, #tpu.memory_space<hbm>>
      tpu.wait_dma2 semaphore(%run_scoped3A : memref<!tpu.dma_semaphore, #tpu.memory_space<semaphore_mem>>) src(%dma_wait3A_82 : memref<16200xf32, #tpu.memory_space<hbm>>) dst(%dma_wait3A_81 : memref<16200xf32, #tpu.memory_space<vmem>>)
      tpu.yield
    }) : () -> ()
    "tpu.region"() ({
      %run_scoped3A = tpu.sem_alloc : memref<!tpu.dma_semaphore, #tpu.memory_space<semaphore_mem>>
      %dma_start3A = arith.constant 16200 : i32
      %dma_start3A_73 = tpu.memref_slice %arg5[%dma_start3A] : memref<16576xf32, #tpu.memory_space<vmem>> -> memref<376xf32, #tpu.memory_space<vmem>>
      %dma_start3A_74 = tpu.memref_slice %arg2[%select_n3A_11] : memref<518400xf32, #tpu.memory_space<hbm>> -> memref<376xf32, #tpu.memory_space<hbm>>
      %dma_start3A_75 = arith.constant 16200 : i32
      %dma_start3A_76 = tpu.memref_slice %arg5[%dma_start3A_75] : memref<16576xf32, #tpu.memory_space<vmem>> -> memref<376xf32, #tpu.memory_space<vmem>>
      %dma_start3A_77 = tpu.memref_slice %arg2[%select_n3A_11] : memref<518400xf32, #tpu.memory_space<hbm>> -> memref<376xf32, #tpu.memory_space<hbm>>
      tpu.enqueue_dma source(%dma_start3A_77 : memref<376xf32, #tpu.memory_space<hbm>>) target(%dma_start3A_76 : memref<376xf32, #tpu.memory_space<vmem>>) target_semaphore(%run_scoped3A : memref<!tpu.dma_semaphore, #tpu.memory_space<semaphore_mem>>)
      %dma_wait3A = arith.constant 16200 : i32
      %dma_wait3A_78 = tpu.memref_slice %arg5[%dma_wait3A] : memref<16576xf32, #tpu.memory_space<vmem>> -> memref<376xf32, #tpu.memory_space<vmem>>
      %dma_wait3A_79 = tpu.memref_slice %arg2[%select_n3A_11] : memref<518400xf32, #tpu.memory_space<hbm>> -> memref<376xf32, #tpu.memory_space<hbm>>
      %dma_wait3A_80 = arith.constant 16200 : i32
      %dma_wait3A_81 = tpu.memref_slice %arg5[%dma_wait3A_80] : memref<16576xf32, #tpu.memory_space<vmem>> -> memref<376xf32, #tpu.memory_space<vmem>>
      %dma_wait3A_82 = tpu.memref_slice %arg2[%select_n3A_11] : memref<518400xf32, #tpu.memory_space<hbm>> -> memref<376xf32, #tpu.memory_space<hbm>>
      tpu.wait_dma2 semaphore(%run_scoped3A : memref<!tpu.dma_semaphore, #tpu.memory_space<semaphore_mem>>) src(%dma_wait3A_82 : memref<376xf32, #tpu.memory_space<hbm>>) dst(%dma_wait3A_81 : memref<376xf32, #tpu.memory_space<vmem>>)
      tpu.yield
    }) : () -> ()
    "tpu.region"() ({
      %run_scoped3A = tpu.sem_alloc : memref<!tpu.dma_semaphore, #tpu.memory_space<semaphore_mem>>
      tpu.enqueue_dma source(%arg3 : memref<720xf32, #tpu.memory_space<hbm>>) target(%arg6 : memref<720xf32, #tpu.memory_space<vmem>>) target_semaphore(%run_scoped3A : memref<!tpu.dma_semaphore, #tpu.memory_space<semaphore_mem>>)
      tpu.wait_dma2 semaphore(%run_scoped3A : memref<!tpu.dma_semaphore, #tpu.memory_space<semaphore_mem>>) src(%arg3 : memref<720xf32, #tpu.memory_space<hbm>>) dst(%arg6 : memref<720xf32, #tpu.memory_space<vmem>>)
      tpu.yield
    }) : () -> ()
    %broadcast_in_dim3A = arith.constant 0.000000e+00 : f32
    %broadcast_in_dim3A_12 = vector.broadcast %broadcast_in_dim3A : f32 to vector<16xf32>
    %scan3A = arith.constant 0 : i32
    %scan3A_13 = arith.constant 495 : i32
    %scan3A_14 = arith.addi %scan3A, %scan3A_13 : i32
    %scan3A_15 = arith.constant 1 : i32
    %scan3A_16 = scf.for %scan3A_73 = %scan3A to %scan3A_14 step %scan3A_15 iter_args(%scan3A_74 = %broadcast_in_dim3A_12) -> (vector<16xf32>)  : i32 {
      %broadcast_in_dim3A_75 = arith.constant 0.000000e+00 : f32
      %broadcast_in_dim3A_76 = vector.broadcast %broadcast_in_dim3A_75 : f32 to vector<16xf32>
      %mul3A_77 = arith.constant 2 : i32
      %mul3A_78 = arith.muli %scan3A_73, %mul3A_77 : i32
      %add3A_79 = arith.constant 0 : i32
      %add3A_80 = arith.addi %mul3A_78, %add3A_79 : i32
      %mul3A_81 = arith.constant 16 : i32
      %mul3A_82 = arith.muli %add3A_80, %mul3A_81 : i32
      %get3A_83 = arith.index_cast %mul3A_82 : i32 to index
      %get3A_84 = tpu.vector_load %arg5[%get3A_83] {strides = array<i32>} : memref<16576xf32, #tpu.memory_space<vmem>>, vector<16xf32>,
      %get3A_85 = vector.shape_cast %get3A_84 : vector<16xf32> to vector<16xf32>
      %add3A_86 = arith.constant 1 : i32
      %add3A_87 = arith.addi %mul3A_82, %add3A_86 : i32
      %get3A_88 = arith.index_cast %add3A_87 : i32 to index
      %get3A_89 = tpu.vector_load %arg5[%get3A_88] {strides = array<i32>} : memref<16576xf32, #tpu.memory_space<vmem>>, vector<16xf32>,
      %get3A_90 = vector.shape_cast %get3A_89 : vector<16xf32> to vector<16xf32>
      %add3A_91 = arith.constant 360 : i32
      %add3A_92 = arith.addi %mul3A_82, %add3A_91 : i32
      %get3A_93 = arith.index_cast %add3A_92 : i32 to index
      %get3A_94 = tpu.vector_load %arg5[%get3A_93] {strides = array<i32>} : memref<16576xf32, #tpu.memory_space<vmem>>, vector<16xf32>,
      %get3A_95 = vector.shape_cast %get3A_94 : vector<16xf32> to vector<16xf32>
      %rem3A_96 = arith.constant 720 : i32
      %rem3A_97 = arith.remsi %mul3A_82, %rem3A_96 : i32
      %get3A_98 = arith.index_cast %rem3A_97 : i32 to index
      %get3A_99 = tpu.vector_load %arg6[%get3A_98] {strides = array<i32>} : memref<720xf32, #tpu.memory_space<vmem>>, vector<16xf32>,
      %get3A_100 = vector.shape_cast %get3A_99 : vector<16xf32> to vector<16xf32>
      %sub3A_101 = arith.subf %get3A_90, %get3A_85 : vector<16xf32>
      %sub3A_102 = arith.subf %get3A_95, %get3A_85 : vector<16xf32>
      %mul3A_103 = arith.mulf %get3A_85, %get3A_85 : vector<16xf32>
      %mul3A_104 = arith.constant 1.9483025E-6 : f32
      %mul3A_105 = vector.broadcast %mul3A_104 : f32 to vector<16xf32>
      %mul3A_106 = arith.mulf %mul3A_103, %mul3A_105 : vector<16xf32>
      %add3A_107 = arith.addf %broadcast_in_dim3A_76, %mul3A_106 : vector<16xf32>
      %mul3A_108 = arith.mulf %sub3A_101, %sub3A_101 : vector<16xf32>
      %mul3A_109 = arith.mulf %mul3A_108, %get3A_100 : vector<16xf32>
      %add3A_110 = arith.addf %add3A_107, %mul3A_109 : vector<16xf32>
      %mul3A_111 = arith.mulf %sub3A_102, %sub3A_102 : vector<16xf32>
      %mul3A_112 = arith.constant 1.939789E-9 : f32
      %mul3A_113 = vector.broadcast %mul3A_112 : f32 to vector<16xf32>
      %mul3A_114 = arith.mulf %mul3A_111, %mul3A_113 : vector<16xf32>
      %add3A_115 = arith.addf %add3A_110, %mul3A_114 : vector<16xf32>
      %mul3A_116 = arith.constant 2 : i32
      %mul3A_117 = arith.muli %scan3A_73, %mul3A_116 : i32
      %add3A_118 = arith.constant 1 : i32
      %add3A_119 = arith.addi %mul3A_117, %add3A_118 : i32
      %mul3A_120 = arith.constant 16 : i32
      %mul3A_121 = arith.muli %add3A_119, %mul3A_120 : i32
      %get3A_122 = arith.index_cast %mul3A_121 : i32 to index
      %get3A_123 = tpu.vector_load %arg5[%get3A_122] {strides = array<i32>} : memref<16576xf32, #tpu.memory_space<vmem>>, vector<16xf32>,
      %get3A_124 = vector.shape_cast %get3A_123 : vector<16xf32> to vector<16xf32>
      %add3A_125 = arith.constant 1 : i32
      %add3A_126 = arith.addi %mul3A_121, %add3A_125 : i32
      %get3A_127 = arith.index_cast %add3A_126 : i32 to index
      %get3A_128 = tpu.vector_load %arg5[%get3A_127] {strides = array<i32>} : memref<16576xf32, #tpu.memory_space<vmem>>, vector<16xf32>,
      %get3A_129 = vector.shape_cast %get3A_128 : vector<16xf32> to vector<16xf32>
      %add3A_130 = arith.constant 360 : i32
      %add3A_131 = arith.addi %mul3A_121, %add3A_130 : i32
      %get3A_132 = arith.index_cast %add3A_131 : i32 to index
      %get3A_133 = tpu.vector_load %arg5[%get3A_132] {strides = array<i32>} : memref<16576xf32, #tpu.memory_space<vmem>>, vector<16xf32>,
      %get3A_134 = vector.shape_cast %get3A_133 : vector<16xf32> to vector<16xf32>
      %rem3A_135 = arith.constant 720 : i32
      %rem3A_136 = arith.remsi %mul3A_121, %rem3A_135 : i32
      %get3A_137 = arith.index_cast %rem3A_136 : i32 to index
      %get3A_138 = tpu.vector_load %arg6[%get3A_137] {strides = array<i32>} : memref<720xf32, #tpu.memory_space<vmem>>, vector<16xf32>,
      %get3A_139 = vector.shape_cast %get3A_138 : vector<16xf32> to vector<16xf32>
      %sub3A_140 = arith.subf %get3A_129, %get3A_124 : vector<16xf32>
      %sub3A_141 = arith.subf %get3A_134, %get3A_124 : vector<16xf32>
      %mul3A_142 = arith.mulf %get3A_124, %get3A_124 : vector<16xf32>
      %mul3A_143 = arith.constant 1.9483025E-6 : f32
      %mul3A_144 = vector.broadcast %mul3A_143 : f32 to vector<16xf32>
      %mul3A_145 = arith.mulf %mul3A_142, %mul3A_144 : vector<16xf32>
      %add3A_146 = arith.addf %add3A_115, %mul3A_145 : vector<16xf32>
      %mul3A_147 = arith.mulf %sub3A_140, %sub3A_140 : vector<16xf32>
      %mul3A_148 = arith.mulf %mul3A_147, %get3A_139 : vector<16xf32>
      %add3A_149 = arith.addf %add3A_146, %mul3A_148 : vector<16xf32>
      %mul3A_150 = arith.mulf %sub3A_141, %sub3A_141 : vector<16xf32>
      %mul3A_151 = arith.constant 1.939789E-9 : f32
      %mul3A_152 = vector.broadcast %mul3A_151 : f32 to vector<16xf32>
      %mul3A_153 = arith.mulf %mul3A_150, %mul3A_152 : vector<16xf32>
      %add3A_154 = arith.addf %add3A_149, %mul3A_153 : vector<16xf32>
      %add3A_155 = arith.addf %scan3A_74, %add3A_154 : vector<16xf32>
      scf.yield %add3A_155 : vector<16xf32>
    }
    %scan3A_17 = arith.constant 495 : i32
    %mul3A_18 = arith.constant 1.939789E-9 : f32
    %mul3A_19 = arith.mulf %select_n3A, %mul3A_18 : f32
    %broadcast_in_dim3A_20 = vector.broadcast %mul3A_19 : f32 to vector<16xf32>
    %scan3A_21 = arith.constant 990 : i32
    %scan3A_22 = arith.constant 22 : i32
    %scan3A_23 = arith.addi %scan3A_21, %scan3A_22 : i32
    %scan3A_24 = arith.constant 1 : i32
    %scan3A_25 = scf.for %scan3A_73 = %scan3A_21 to %scan3A_23 step %scan3A_24 iter_args(%scan3A_74 = %scan3A_16) -> (vector<16xf32>)  : i32 {
      %mul3A_75 = arith.constant 16 : i32
      %mul3A_76 = arith.muli %scan3A_73, %mul3A_75 : i32
      %get3A_77 = arith.index_cast %mul3A_76 : i32 to index
      %get3A_78 = tpu.vector_load %arg5[%get3A_77] {strides = array<i32>} : memref<16576xf32, #tpu.memory_space<vmem>>, vector<16xf32>,
      %get3A_79 = vector.shape_cast %get3A_78 : vector<16xf32> to vector<16xf32>
      %add3A_80 = arith.constant 1 : i32
      %add3A_81 = arith.addi %mul3A_76, %add3A_80 : i32
      %get3A_82 = arith.index_cast %add3A_81 : i32 to index
      %get3A_83 = tpu.vector_load %arg5[%get3A_82] {strides = array<i32>} : memref<16576xf32, #tpu.memory_space<vmem>>, vector<16xf32>,
      %get3A_84 = vector.shape_cast %get3A_83 : vector<16xf32> to vector<16xf32>
      %add3A_85 = arith.constant 360 : i32
      %add3A_86 = arith.addi %mul3A_76, %add3A_85 : i32
      %get3A_87 = arith.index_cast %add3A_86 : i32 to index
      %get3A_88 = tpu.vector_load %arg5[%get3A_87] {strides = array<i32>} : memref<16576xf32, #tpu.memory_space<vmem>>, vector<16xf32>,
      %get3A_89 = vector.shape_cast %get3A_88 : vector<16xf32> to vector<16xf32>
      %rem3A_90 = arith.constant 720 : i32
      %rem3A_91 = arith.remsi %mul3A_76, %rem3A_90 : i32
      %get3A_92 = arith.index_cast %rem3A_91 : i32 to index
      %get3A_93 = tpu.vector_load %arg6[%get3A_92] {strides = array<i32>} : memref<720xf32, #tpu.memory_space<vmem>>, vector<16xf32>,
      %get3A_94 = vector.shape_cast %get3A_93 : vector<16xf32> to vector<16xf32>
      %sub3A_95 = arith.subf %get3A_84, %get3A_79 : vector<16xf32>
      %sub3A_96 = arith.subf %get3A_89, %get3A_79 : vector<16xf32>
      %mul3A_97 = arith.mulf %get3A_79, %get3A_79 : vector<16xf32>
      %mul3A_98 = arith.constant 1.9483025E-6 : f32
      %mul3A_99 = vector.broadcast %mul3A_98 : f32 to vector<16xf32>
      %mul3A_100 = arith.mulf %mul3A_97, %mul3A_99 : vector<16xf32>
      %add3A_101 = arith.addf %scan3A_74, %mul3A_100 : vector<16xf32>
      %mul3A_102 = arith.mulf %sub3A_95, %sub3A_95 : vector<16xf32>
      %mul3A_103 = arith.mulf %mul3A_102, %get3A_94 : vector<16xf32>
      %add3A_104 = arith.addf %add3A_101, %mul3A_103 : vector<16xf32>
      %mul3A_105 = arith.mulf %sub3A_96, %sub3A_96 : vector<16xf32>
      %mul3A_106 = arith.mulf %mul3A_105, %broadcast_in_dim3A_20 : vector<16xf32>
      %add3A_107 = arith.addf %add3A_104, %mul3A_106 : vector<16xf32>
      scf.yield %add3A_107 : vector<16xf32>
    }
    %scan3A_26 = arith.constant 22 : i32
    %iota3A = tpu.iota {dimensions = array<i32: 0>} : vector<16xi32>
    %convert_element_type3A = arith.sitofp %iota3A : vector<16xi32> to vector<16xf32>
    %sub3A = arith.constant 8.000000e+00 : f32
    %sub3A_27 = vector.broadcast %sub3A : f32 to vector<16xf32>
    %sub3A_28 = arith.subf %sub3A_27, %convert_element_type3A : vector<16xf32>
    %jit3A_29 = arith.constant 0.000000e+00 : f32
    %jit3A_30 = arith.constant 1.000000e+00 : f32
    %max3A = vector.broadcast %jit3A_29 : f32 to vector<16xf32>
    %max3A_31 = arith.maximumf %max3A, %sub3A_28 : vector<16xf32>
    %min3A = vector.broadcast %jit3A_30 : f32 to vector<16xf32>
    %min3A_32 = arith.minimumf %min3A, %max3A_31 : vector<16xf32>
    %sub3A_33 = arith.constant 7.000000e+00 : f32
    %sub3A_34 = vector.broadcast %sub3A_33 : f32 to vector<16xf32>
    %sub3A_35 = arith.subf %sub3A_34, %convert_element_type3A : vector<16xf32>
    %jit3A_36 = arith.constant 0.000000e+00 : f32
    %jit3A_37 = arith.constant 1.000000e+00 : f32
    %max3A_38 = vector.broadcast %jit3A_36 : f32 to vector<16xf32>
    %max3A_39 = arith.maximumf %max3A_38, %sub3A_35 : vector<16xf32>
    %min3A_40 = vector.broadcast %jit3A_37 : f32 to vector<16xf32>
    %min3A_41 = arith.minimumf %min3A_40, %max3A_39 : vector<16xf32>
    %get3A = arith.constant 16192 : index
    %get3A_42 = tpu.vector_load %arg5[%get3A] {strides = array<i32>} : memref<16576xf32, #tpu.memory_space<vmem>>, vector<16xf32>,
    %get3A_43 = vector.shape_cast %get3A_42 : vector<16xf32> to vector<16xf32>
    %get3A_44 = arith.constant 16193 : index
    %get3A_45 = tpu.vector_load %arg5[%get3A_44] {strides = array<i32>} : memref<16576xf32, #tpu.memory_space<vmem>>, vector<16xf32>,
    %get3A_46 = vector.shape_cast %get3A_45 : vector<16xf32> to vector<16xf32>
    %sub3A_47 = arith.subf %get3A_46, %get3A_43 : vector<16xf32>
    %mul3A_48 = arith.mulf %sub3A_47, %min3A_41 : vector<16xf32>
    %get3A_49 = arith.constant 16552 : index
    %get3A_50 = tpu.vector_load %arg5[%get3A_49] {strides = array<i32>} : memref<16576xf32, #tpu.memory_space<vmem>>, vector<16xf32>,
    %get3A_51 = vector.shape_cast %get3A_50 : vector<16xf32> to vector<16xf32>
    %sub3A_52 = arith.subf %get3A_51, %get3A_43 : vector<16xf32>
    %mul3A_53 = arith.mulf %sub3A_52, %min3A_32 : vector<16xf32>
    %get3A_54 = arith.constant 352 : index
    %get3A_55 = tpu.vector_load %arg6[%get3A_54] {strides = array<i32>} : memref<720xf32, #tpu.memory_space<vmem>>, vector<16xf32>,
    %get3A_56 = vector.shape_cast %get3A_55 : vector<16xf32> to vector<16xf32>
    %mul3A_57 = arith.mulf %get3A_43, %get3A_43 : vector<16xf32>
    %mul3A_58 = arith.mulf %mul3A_57, %min3A_32 : vector<16xf32>
    %mul3A_59 = arith.constant 1.9483025E-6 : f32
    %mul3A_60 = vector.broadcast %mul3A_59 : f32 to vector<16xf32>
    %mul3A_61 = arith.mulf %mul3A_58, %mul3A_60 : vector<16xf32>
    %add3A_62 = arith.addf %scan3A_25, %mul3A_61 : vector<16xf32>
    %mul3A_63 = arith.mulf %mul3A_48, %mul3A_48 : vector<16xf32>
    %mul3A_64 = arith.mulf %mul3A_63, %get3A_56 : vector<16xf32>
    %add3A_65 = arith.addf %add3A_62, %mul3A_64 : vector<16xf32>
    %mul3A_66 = arith.mulf %mul3A_53, %mul3A_53 : vector<16xf32>
    %mul3A_67 = arith.mulf %mul3A_66, %min3A_32 : vector<16xf32>
    %mul3A_68 = arith.mulf %mul3A_67, %broadcast_in_dim3A_20 : vector<16xf32>
    %add3A_69 = arith.addf %add3A_65, %mul3A_68 : vector<16xf32>
    %swap3A = arith.constant 0 : index
    %swap3A_70 = tpu.vector_load %arg7[%swap3A] {strides = array<i32>} : memref<16xf32, #tpu.memory_space<vmem>>, vector<16xf32>,
    %swap3A_71 = vector.shape_cast %swap3A_70 : vector<16xf32> to vector<16xf32>
    %swap3A_72 = vector.shape_cast %add3A_69 : vector<16xf32> to vector<16xf32>
    tpu.vector_store %arg7[%swap3A], %swap3A_72 {strides = array<i32>} : memref<16xf32, #tpu.memory_space<vmem>>, vector<16xf32>,
    "tpu.region"() ({
      %run_scoped3A = tpu.sem_alloc : memref<!tpu.dma_semaphore, #tpu.memory_space<semaphore_mem>>
      %dma_start3A = arith.constant 0 : i32
      %dma_start3A_73 = tpu.memref_slice %arg4[%add3A, %dma_start3A] : memref<32x16xf32, #tpu.memory_space<hbm>> -> memref<1x16xf32, #tpu.memory_space<hbm>>
      %dma_start3A_74 = tpu.memref_squeeze %dma_start3A_73 : memref<1x16xf32, #tpu.memory_space<hbm>> -> memref<16xf32, #tpu.memory_space<hbm>>
      %dma_start3A_75 = arith.constant 0 : i32
      %dma_start3A_76 = tpu.memref_slice %arg4[%add3A, %dma_start3A_75] : memref<32x16xf32, #tpu.memory_space<hbm>> -> memref<1x16xf32, #tpu.memory_space<hbm>>
      %dma_start3A_77 = tpu.memref_squeeze %dma_start3A_76 : memref<1x16xf32, #tpu.memory_space<hbm>> -> memref<16xf32, #tpu.memory_space<hbm>>
      tpu.enqueue_dma source(%arg7 : memref<16xf32, #tpu.memory_space<vmem>>) target(%dma_start3A_77 : memref<16xf32, #tpu.memory_space<hbm>>) target_semaphore(%run_scoped3A : memref<!tpu.dma_semaphore, #tpu.memory_space<semaphore_mem>>)
      %dma_wait3A = arith.constant 0 : i32
      %dma_wait3A_78 = tpu.memref_slice %arg4[%add3A, %dma_wait3A] : memref<32x16xf32, #tpu.memory_space<hbm>> -> memref<1x16xf32, #tpu.memory_space<hbm>>
      %dma_wait3A_79 = tpu.memref_squeeze %dma_wait3A_78 : memref<1x16xf32, #tpu.memory_space<hbm>> -> memref<16xf32, #tpu.memory_space<hbm>>
      %dma_wait3A_80 = arith.constant 0 : i32
      %dma_wait3A_81 = tpu.memref_slice %arg4[%add3A, %dma_wait3A_80] : memref<32x16xf32, #tpu.memory_space<hbm>> -> memref<1x16xf32, #tpu.memory_space<hbm>>
      %dma_wait3A_82 = tpu.memref_squeeze %dma_wait3A_81 : memref<1x16xf32, #tpu.memory_space<hbm>> -> memref<16xf32, #tpu.memory_space<hbm>>
      tpu.wait_dma2 semaphore(%run_scoped3A : memref<!tpu.dma_semaphore, #tpu.memory_space<semaphore_mem>>) src(%arg7 : memref<16xf32, #tpu.memory_space<vmem>>) dst(%dma_wait3A_82 : memref<16xf32, #tpu.memory_space<hbm>>)
      tpu.yield
    }) : () -> ()
    return
  }
}

module attributes {stable_mosaic.version = 14 : i64} {
  func.func @_tc_kernel(%arg0: i32, %arg1: i32, %arg2: memref<1x720x1440xf32, #tpu.memory_space<vmem>>, %arg3: memref<1x720x1440xf32, #tpu.memory_space<vmem>>, %arg4: memref<8x1x180x360xf32, #tpu.memory_space<vmem>>, %arg5: memref<8x1x180x360xf32, #tpu.memory_space<vmem>>, %arg6: memref<180x720xf32, #tpu.memory_space<vmem>>, %arg7: memref<1440x360xf32, #tpu.memory_space<vmem>>, %arg8: memref<1x1xf32, #tpu.memory_space<vmem>>) attributes {dimension_semantics = [#tpu.dimension_semantics<arbitrary>, #tpu.dimension_semantics<arbitrary>], iteration_bounds = array<i64: 8, 1>, scalar_prefetch = 0 : i64, scratch_operands = 0 : i64, tpu.core_type = #tpu.core_type<tc>, window_params = [{transform_indices = @transform_0, window_bounds = array<i64: 1, 720, 1440>}, {transform_indices = @transform_1, window_bounds = array<i64: 1, 720, 1440>}, {pipeline_mode = #tpu.pipeline_mode<synchronous>, transform_indices = @transform_2, window_bounds = array<i64: 8, 1, 180, 360>}, {pipeline_mode = #tpu.pipeline_mode<synchronous>, transform_indices = @transform_3, window_bounds = array<i64: 8, 1, 180, 360>}, {pipeline_mode = #tpu.pipeline_mode<synchronous>, transform_indices = @transform_4, window_bounds = array<i64: 180, 720>}, {pipeline_mode = #tpu.pipeline_mode<synchronous>, transform_indices = @transform_5, window_bounds = array<i64: 1440, 360>}, {pipeline_mode = #tpu.pipeline_mode<synchronous>, transform_indices = @transform_6, window_bounds = array<i64: 1, 1>}]} {
    %get3A = arith.constant 0 : index
    %get3A_0 = arith.constant 0 : index
    %get3A_1 = arith.constant 0 : index
    %get3A_2 = vector.load %arg2[%get3A, %get3A_0, %get3A_1] : memref<1x720x1440xf32, #tpu.memory_space<vmem>>, vector<1x720x1440xf32>
    %get3A_3 = vector.shape_cast %get3A_2 : vector<1x720x1440xf32> to vector<720x1440xf32>
    %get3A_4 = arith.constant 0 : index
    %get3A_5 = arith.constant 0 : index
    %get3A_6 = arith.constant 0 : index
    %get3A_7 = vector.load %arg3[%get3A_4, %get3A_5, %get3A_6] : memref<1x720x1440xf32, #tpu.memory_space<vmem>>, vector<1x720x1440xf32>
    %get3A_8 = vector.shape_cast %get3A_7 : vector<1x720x1440xf32> to vector<720x1440xf32>
    %add3A = arith.addf %get3A_8, %get3A_3 : vector<720x1440xf32>
    %get3A_9 = arith.constant 0 : index
    %get3A_10 = arith.constant 0 : index
    %get3A_11 = vector.load %arg6[%get3A_9, %get3A_10] : memref<180x720xf32, #tpu.memory_space<vmem>>, vector<180x720xf32>
    %get3A_12 = arith.constant 0 : index
    %get3A_13 = arith.constant 0 : index
    %get3A_14 = vector.load %arg7[%get3A_12, %get3A_13] : memref<1440x360xf32, #tpu.memory_space<vmem>>, vector<1440x360xf32>
    %broadcast_in_dim3A = arith.constant 1.000000e+00 : f32
    %broadcast_in_dim3A_15 = vector.broadcast %broadcast_in_dim3A : f32 to vector<1x720xf32>
    %mul3A = arith.mulf %add3A, %add3A : vector<720x1440xf32>
    %dot_general3A = arith.constant dense<0.000000e+00> : vector<1x1440xf32>
    %dot_general3A_16 = tpu.matmul %broadcast_in_dim3A_15, %mul3A, %dot_general3A {dimension_numbers = #tpu.dot_dimension_numbers<[1], [0], [0], [1], [0, 0, 1, 1], [], []>, transpose_lhs_hint = false} : vector<1x720xf32>, vector<720x1440xf32>, vector<1x1440xf32> -> vector<1x1440xf32>
    %reduce_sum3A = vector.shape_cast %dot_general3A_16 : vector<1x1440xf32> to vector<1x1x1440xf32>
    %reduce_sum3A_17 = arith.constant dense<0.000000e+00> : vector<1xf32>
    %reduce_sum3A_18 = vector.multi_reduction <add>, %reduce_sum3A, %reduce_sum3A_17 [1, 2] : vector<1x1x1440xf32> to vector<1xf32>
    %reduce_sum3A_19 = vector.shape_cast %reduce_sum3A_18 : vector<1xf32> to vector<1x1x1xf32>
    %reduce_sum3A_20 = vector.extract %reduce_sum3A_19[0, 0, 0] : f32 from vector<1x1x1xf32>
    %dot_general3A_21 = arith.constant dense<0.000000e+00> : vector<180x1440xf32>
    %dot_general3A_22 = tpu.matmul %get3A_11, %add3A, %dot_general3A_21 {dimension_numbers = #tpu.dot_dimension_numbers<[1], [0], [0], [1], [0, 0, 1, 1], [], []>, transpose_lhs_hint = false} : vector<180x720xf32>, vector<720x1440xf32>, vector<180x1440xf32> -> vector<180x1440xf32>
    %dot_general3A_23 = arith.constant dense<0.000000e+00> : vector<180x360xf32>
    %dot_general3A_24 = tpu.matmul %dot_general3A_22, %get3A_14, %dot_general3A_23 {dimension_numbers = #tpu.dot_dimension_numbers<[1], [0], [0], [1], [0, 0, 1, 1], [], []>, transpose_lhs_hint = false} : vector<180x1440xf32>, vector<1440x360xf32>, vector<180x360xf32> -> vector<180x360xf32>
    %dot_general3A_25 = arith.constant dense<0.000000e+00> : vector<180x1440xf32>
    %dot_general3A_26 = tpu.matmul %get3A_11, %get3A_3, %dot_general3A_25 {dimension_numbers = #tpu.dot_dimension_numbers<[1], [0], [0], [1], [0, 0, 1, 1], [], []>, transpose_lhs_hint = false} : vector<180x720xf32>, vector<720x1440xf32>, vector<180x1440xf32> -> vector<180x1440xf32>
    %dot_general3A_27 = arith.constant dense<0.000000e+00> : vector<180x360xf32>
    %dot_general3A_28 = tpu.matmul %dot_general3A_26, %get3A_14, %dot_general3A_27 {dimension_numbers = #tpu.dot_dimension_numbers<[1], [0], [0], [1], [0, 0, 1, 1], [], []>, transpose_lhs_hint = false} : vector<180x1440xf32>, vector<1440x360xf32>, vector<180x360xf32> -> vector<180x360xf32>
    %get3A_29 = arith.index_cast %arg0 : i32 to index
    %get3A_30 = arith.index_cast %arg1 : i32 to index
    %get3A_31 = arith.constant 0 : index
    %get3A_32 = arith.constant 0 : index
    %get3A_33 = vector.load %arg4[%get3A_29, %get3A_30, %get3A_31, %get3A_32] : memref<8x1x180x360xf32, #tpu.memory_space<vmem>>, vector<1x1x180x360xf32>
    %get3A_34 = vector.shape_cast %get3A_33 : vector<1x1x180x360xf32> to vector<180x360xf32>
    %get3A_35 = arith.index_cast %arg0 : i32 to index
    %get3A_36 = arith.index_cast %arg1 : i32 to index
    %get3A_37 = arith.constant 0 : index
    %get3A_38 = arith.constant 0 : index
    %get3A_39 = vector.load %arg5[%get3A_35, %get3A_36, %get3A_37, %get3A_38] : memref<8x1x180x360xf32, #tpu.memory_space<vmem>>, vector<1x1x180x360xf32>
    %get3A_40 = vector.shape_cast %get3A_39 : vector<1x1x180x360xf32> to vector<180x360xf32>
    %mul3A_41 = arith.mulf %get3A_34, %dot_general3A_24 : vector<180x360xf32>
    %reduce_sum3A_42 = vector.shape_cast %mul3A_41 : vector<180x360xf32> to vector<1x180x360xf32>
    %reduce_sum3A_43 = arith.constant dense<0.000000e+00> : vector<1xf32>
    %reduce_sum3A_44 = vector.multi_reduction <add>, %reduce_sum3A_42, %reduce_sum3A_43 [1, 2] : vector<1x180x360xf32> to vector<1xf32>
    %reduce_sum3A_45 = vector.shape_cast %reduce_sum3A_44 : vector<1xf32> to vector<1x1x1xf32>
    %reduce_sum3A_46 = vector.extract %reduce_sum3A_45[0, 0, 0] : f32 from vector<1x1x1xf32>
    %mul3A_47 = arith.constant 6.250000e-02 : f32
    %mul3A_48 = vector.broadcast %mul3A_47 : f32 to vector<180x360xf32>
    %mul3A_49 = arith.mulf %dot_general3A_28, %mul3A_48 : vector<180x360xf32>
    %sub3A = arith.subf %mul3A_49, %get3A_40 : vector<180x360xf32>
    %integer_pow3A = arith.mulf %sub3A, %sub3A : vector<180x360xf32>
    %reduce_sum3A_50 = vector.shape_cast %integer_pow3A : vector<180x360xf32> to vector<1x180x360xf32>
    %reduce_sum3A_51 = arith.constant dense<0.000000e+00> : vector<1xf32>
    %reduce_sum3A_52 = vector.multi_reduction <add>, %reduce_sum3A_50, %reduce_sum3A_51 [1, 2] : vector<1x180x360xf32> to vector<1xf32>
    %reduce_sum3A_53 = vector.shape_cast %reduce_sum3A_52 : vector<1xf32> to vector<1x1x1xf32>
    %reduce_sum3A_54 = vector.extract %reduce_sum3A_53[0, 0, 0] : f32 from vector<1x1x1xf32>
    %mul3A_55 = arith.constant 2.000000e+00 : f32
    %mul3A_56 = arith.mulf %mul3A_55, %reduce_sum3A_46 : f32
    %sub3A_57 = arith.subf %reduce_sum3A_20, %mul3A_56 : f32
    %mul3A_58 = arith.constant 1.20563271E-7 : f32
    %mul3A_59 = arith.mulf %sub3A_57, %mul3A_58 : f32
    %mul3A_60 = arith.constant 1.92901243E-5 : f32
    %mul3A_61 = arith.mulf %reduce_sum3A_54, %mul3A_60 : f32
    %add3A_62 = arith.addf %mul3A_59, %mul3A_61 : f32
    %eq3A = arith.constant 0 : i32
    %eq3A_63 = arith.cmpi eq, %arg0, %eq3A : i32
    %eq3A_64 = arith.constant 0 : i32
    %eq3A_65 = arith.cmpi eq, %arg1, %eq3A_64 : i32
    %and3A = arith.andi %eq3A_63, %eq3A_65 : i1
    %convert_element_type3A = arith.extui %and3A : i1 to i32
    %cond3A = arith.constant 0 : i32
    %cond3A_66 = arith.cmpi ne, %convert_element_type3A, %cond3A : i32
    scf.if %cond3A_66 {
      %broadcast_in_dim3A_74 = arith.constant 0.000000e+00 : f32
      %broadcast_in_dim3A_75 = vector.broadcast %broadcast_in_dim3A_74 : f32 to vector<1x1xf32>
      %swap3A_76 = arith.constant 0 : index
      %swap3A_77 = arith.constant 0 : index
      %swap3A_78 = vector.load %arg8[%swap3A_76, %swap3A_77] : memref<1x1xf32, #tpu.memory_space<vmem>>, vector<1x1xf32>
      tpu.vector_store %arg8[%swap3A_76, %swap3A_77], %broadcast_in_dim3A_75 {strides = array<i32>} : memref<1x1xf32, #tpu.memory_space<vmem>>, vector<1x1xf32>,
    } else {
    }
    %get3A_67 = arith.constant 0 : index
    %get3A_68 = arith.constant 0 : index
    %get3A_69 = vector.load %arg8[%get3A_67, %get3A_68] : memref<1x1xf32, #tpu.memory_space<vmem>>, vector<1x1xf32>
    %broadcast_in_dim3A_70 = vector.broadcast %add3A_62 : f32 to vector<1x1xf32>
    %add3A_71 = arith.addf %get3A_69, %broadcast_in_dim3A_70 : vector<1x1xf32>
    %swap3A = arith.constant 0 : index
    %swap3A_72 = arith.constant 0 : index
    %swap3A_73 = vector.load %arg8[%swap3A, %swap3A_72] : memref<1x1xf32, #tpu.memory_space<vmem>>, vector<1x1xf32>
    tpu.vector_store %arg8[%swap3A, %swap3A_72], %add3A_71 {strides = array<i32>} : memref<1x1xf32, #tpu.memory_space<vmem>>, vector<1x1xf32>,
    return
  }
  func.func @transform_0(%arg0: i32, %arg1: i32) -> (i32, i32, i32) {
    %c0_i32 = arith.constant 0 : i32
    %c0_i32_0 = arith.constant 0 : i32
    return %arg0, %arg1, %c0_i32 : i32, i32, i32
  }
  func.func @transform_1(%arg0: i32, %arg1: i32) -> (i32, i32, i32) {
    %c0_i32 = arith.constant 0 : i32
    %c0_i32_0 = arith.constant 0 : i32
    return %arg0, %arg1, %c0_i32 : i32, i32, i32
  }
  func.func @transform_2(%arg0: i32, %arg1: i32) -> (i32, i32, i32, i32) {
    %c0_i32 = arith.constant 0 : i32
    %c0_i32_0 = arith.constant 0 : i32
    %c0_i32_1 = arith.constant 0 : i32
    %c0_i32_2 = arith.constant 0 : i32
    %c0_i32_3 = arith.constant 0 : i32
    return %c0_i32, %c0_i32_0, %c0_i32_1, %c0_i32_2 : i32, i32, i32, i32
  }
  func.func @transform_3(%arg0: i32, %arg1: i32) -> (i32, i32, i32, i32) {
    %c0_i32 = arith.constant 0 : i32
    %c0_i32_0 = arith.constant 0 : i32
    %c0_i32_1 = arith.constant 0 : i32
    %c0_i32_2 = arith.constant 0 : i32
    %c0_i32_3 = arith.constant 0 : i32
    return %c0_i32, %c0_i32_0, %c0_i32_1, %c0_i32_2 : i32, i32, i32, i32
  }
  func.func @transform_4(%arg0: i32, %arg1: i32) -> (i32, i32) {
    %c0_i32 = arith.constant 0 : i32
    %c0_i32_0 = arith.constant 0 : i32
    %c0_i32_1 = arith.constant 0 : i32
    return %c0_i32, %c0_i32_0 : i32, i32
  }
  func.func @transform_5(%arg0: i32, %arg1: i32) -> (i32, i32) {
    %c0_i32 = arith.constant 0 : i32
    %c0_i32_0 = arith.constant 0 : i32
    %c0_i32_1 = arith.constant 0 : i32
    return %c0_i32, %c0_i32_0 : i32, i32
  }
  func.func @transform_6(%arg0: i32, %arg1: i32) -> (i32, i32) {
    %c0_i32 = arith.constant 0 : i32
    %c0_i32_0 = arith.constant 0 : i32
    %c0_i32_1 = arith.constant 0 : i32
    return %c0_i32, %c0_i32_0 : i32, i32
  }
}

</mosaic_0001>

<sc_bundles>
// kernel: kernel.4.cloned.1.call-start
scs
__scs_entry_jumppad:
0x0: {  	(pc) =	sbr.rel $0x88, $3  }
0x1: {  	(tag) =	ssettag $0x0;
	lr =	simm.s32 $0x1  }
0x2: {  	[smem:$0x3F9D] =	sst lr;
	_ =	strace $0xD0000000  }
0x3: {  	_ = 	snop  }
0x4: {  	_ = 	snop  }
0x5: {  	_ = 	snop  }
0x6: {  	_ = 	snop  }
0x7: {  	_ = 	snop  }
__scs_overlays_trampoline_lowered:
0x8: {  	[smem:$0x3FAC] =	sst s0  }
0x9: {  	[smem:$0x3FAD] =	sst s1  }
0xa: {  	[smem:$0x3FAE] =	sst s2  }
0xb: {  	[smem:$0x3FAF] =	sst s3  }
0xc: {  	[smem:$0x3FB0] =	sst s4  }
0xd: {  	[smem:$0x3FB1] =	sst s5  }
0xe: {  	[smem:$0x3FB2] =	sst s6  }
0xf: {  	[smem:$0x3FB3] =	sst s7  }
0x10: {  	[smem:$0x3FB4] =	sst s8  }
0x11: {  	[smem:$0x3FB5] =	sst s9;
	s0 =	simm.s32 @!p0 $0x0  }
0x12: {  	s1 =	sld [smem:$0x3F9B];
	s0 =	simm.s32 @p0 $0x1  }
0x13: {  	[smem:$0x3FB6] =	sst s0;
	s0 =	simm.s32 @!p1 $0x0  }
0x14: {  	s2 =	sld [smem:$0x3F9A];
	s0 =	simm.s32 @p1 $0x1  }
0x15: {  	[smem:$0x3FB7] =	sst s0;
	s0 =	simm.s32 @!p2 $0x0  }
0x16: {  	s3 =	sld [smem:$0x3FDB];
	s0 =	simm.s32 @p2 $0x1  }
0x17: {  	s4 =	simm.s32 $0x1BF5;
	[smem:$0x3FB9] =	sst s0  }
0x18: {  	s0 =	sld [smem:$0x3F9C];
	_ =	swait.ge [sflag:s4], $0x0  }
0x19: {  	s7 =	sld [smem:$0x3F9D]  }
0x1a: {  	s8 =	sadd.s32 $0xFFFFE003, lr  }
0x1b: {  	s9 =	sadd.s32 $0xFFFFFEF7, lr;
	s5 =	simm.s32 $0xFFFFFFFF;
	p2 =	slt.u32 s8, $0xFFFFF086  }
0x1c: {  	p1 =	slt.u32 s9, $0xF7A;
	s5 =	simm.s32 @!p2 $0x0  }
0x1d: {  	s5 =	simm.s32 @p1 $0x1;
	p0 =	seq.s32 s7, s2  }
0x1e: {  	s7 =	smul.u32 @!p0 $0xF7A, s2;
	p2 =	seq.s32 @!p0 s5, $0x0  }
0x1f: {  	s9 =	smul.u32 $0xF7A, s1;
	s8 =	simm.s32 @!p0 $0x1BF5;
	p2 =	por !p2, p0  }
0x20: {  	[sflag:s8] =	ssyncset.s32 @!p0 $0xFFFFF086;
	s6 =	sadd.s32 @!p0 s3, s7;
	s7 =	simm.s32 @!p0 $0x108  }
0x21: {  	s3 =	sadd.s32 s3, s9;
	s6 =	sadd.s32 @!p0 $0x88, s6;
	s7 =	simm.s32 @p2 $0x1082  }
0x22: {  	[simem:s7], [sflag:s8] =	dma.local @!p0 [hbm:s6], $0xF7A  }
0x23: {  	s9 =	sor.u32 $0xD0000000, s2;
	s6 =	simm.s32 $0x108;
	_ =	swait.ge @!p0 [sflag:s8], $0x0  }
0x24: {  	s3 =	sadd.s32 $0x88, s3;
	s6 =	simm.s32 @!p1 $0x1082;
	[sflag:s4] =	ssyncset.s32 $0xFFFFF086  }
0x25: {  	[simem:s6], [sflag:s4] =	dma.local [hbm:s3], $0xF7A  }
0x26: {  	[smem:$0x3F9D] =	sst s1;
	(tag) =	ssettag s2;
	_ =	strace s9  }
0x27: {  	s1 =	sld [smem:$0x3FAD]  }
0x28: {  	s2 =	sld [smem:$0x3FAE]  }
0x29: {  	s4 =	sld [smem:$0x3FB0]  }
0x2a: {  	p0 =	seq.s32 s5, $0x0;
	s5 =	sld [smem:$0x3FB1]  }
0x2b: {  	s6 =	sld [smem:$0x3FB2]  }
0x2c: {  	s7 =	sld [smem:$0x3FB3]  }
0x2d: {  	s3 =	simm.s32 $0x108;
	s8 =	sld [smem:$0x3FB4]  }
0x2e: {  	s3 =	simm.s32 @!p0 $0x1082;
	s9 =	sld [smem:$0x3FB5]  }
0x2f: {  	lr =	sadd.s32 s0, s3;
	s0 =	sld [smem:$0x3FAC]  }
0x30: {  	s3 =	sld [smem:$0x3FAF]  }
0x31: {  	[smem:$0x3FB8] =	sst s10  }
0x32: {  	s10 =	sld [smem:$0x3FB6];
	_ =	sdelay $0x3  }
0x33: {  	p0 =	seq.s32 s10, $0x1;
	s10 =	sld [smem:$0x3FB8];
	_ =	sdelay $0x3  }
0x34: {  	[smem:$0x3FB8] =	sst s10  }
0x35: {  	s10 =	sld [smem:$0x3FB7];
	_ =	sdelay $0x3  }
0x36: {  	p1 =	seq.s32 s10, $0x1;
	s10 =	sld [smem:$0x3FB8];
	_ =	sdelay $0x3  }
0x37: {  	[smem:$0x3FB8] =	sst s10  }
0x38: {  	s10 =	sld [smem:$0x3FB9]  }
0x39: {  	_ = 	snop;
	(pc) =	sbr.ind lr, $3  }
0x3a: {  	_ = 	snop  }
0x3b: {  	_ = 	snop  }
0x3c: {  	p2 =	seq.s32 s10, $0x1;
	s10 =	sld [smem:$0x3FB8]  }
0x3d: {  	_ =	shalt  }
0x3e: {  	_ =	shalt  }
0x3f: {  	_ =	shalt  }
0x40: {  	_ =	shalt  }
0x41: {  	_ =	shalt  }
0x42: {  	_ =	shalt  }
0x43: {  	_ =	shalt  }
0x44: {  	_ =	shalt  }
0x45: {  	_ =	shalt  }
0x46: {  	_ =	shalt  }
0x47: {  	_ =	shalt  }
0x48: {  	_ =	shalt  }
0x49: {  	_ =	shalt  }
0x4a: {  	_ =	shalt  }
0x4b: {  	_ =	shalt  }
0x4c: {  	_ =	shalt  }
0x4d: {  	_ =	shalt  }
0x4e: {  	_ =	shalt  }
0x4f: {  	_ =	shalt  }
0x50: {  	_ =	shalt  }
0x51: {  	_ =	shalt  }
0x52: {  	_ =	shalt  }
0x53: {  	_ =	shalt  }
0x54: {  	_ =	shalt  }
0x55: {  	_ =	shalt  }
0x56: {  	_ =	shalt  }
0x57: {  	_ =	shalt  }
0x58: {  	_ =	shalt  }
0x59: {  	_ =	shalt  }
0x5a: {  	_ =	shalt  }
0x5b: {  	_ =	shalt  }
0x5c: {  	_ =	shalt  }
0x5d: {  	_ =	shalt  }
0x5e: {  	_ =	shalt  }
0x5f: {  	_ =	shalt  }
0x60: {  	_ =	shalt  }
0x61: {  	_ =	shalt  }
0x62: {  	_ =	shalt  }
0x63: {  	_ =	shalt  }
0x64: {  	_ =	shalt  }
0x65: {  	_ =	shalt  }
0x66: {  	_ =	shalt  }
0x67: {  	_ =	shalt  }
0x68: {  	_ =	shalt  }
0x69: {  	_ =	shalt  }
0x6a: {  	_ =	shalt  }
0x6b: {  	_ =	shalt  }
0x6c: {  	_ =	shalt  }
0x6d: {  	_ =	shalt  }
0x6e: {  	_ =	shalt  }
0x6f: {  	_ =	shalt  }
0x70: {  	_ =	shalt  }
0x71: {  	_ =	shalt  }
0x72: {  	_ =	shalt  }
0x73: {  	_ =	shalt  }
0x74: {  	_ =	shalt  }
0x75: {  	_ =	shalt  }
0x76: {  	_ =	shalt  }
0x77: {  	_ =	shalt  }
0x78: {  	_ =	shalt  }
0x79: {  	_ =	shalt  }
0x7a: {  	_ =	shalt  }
0x7b: {  	_ =	shalt  }
0x7c: {  	_ =	shalt  }
0x7d: {  	_ =	shalt  }
0x7e: {  	_ =	shalt  }
0x7f: {  	_ =	shalt  }
0x80: {  	_ =	shalt  }
0x81: {  	_ =	shalt  }
0x82: {  	_ =	shalt  }
0x83: {  	_ =	shalt  }
0x84: {  	_ =	shalt  }
0x85: {  	_ =	shalt  }
0x86: {  	_ =	shalt  }
0x87: {  	_ =	shalt  }
.Lfunc_end0:
.L_simem_size_0:
called_computation_lowered:
.L_overlay_start_0:
0x88: {  	s2 =	sld [smem:$0x3FD9]  }
0x89: {  	s3 =	sld [smem:$0x3FFE];
	_ =	sdelay $0x1  }
0x8a: {  	s1 =	srdreg.scid  }
0x8b: {  	s0 =	sand.u32 $0x1, s1  }
0x8c: {  	s16 =	sshll.u32 s0, $0xA;
	s2 =	sadd.s32 s3, s2  }
0x8d: {  	s2 =	sadd.s32 s2, s16  }
0x8e: {  	[smem:$0x3FC4] =	sst s2  }
0x8f: {  	_ = 	snop  }
0x90: {  	(tm) =	ssettm $0x1  }
0x91: {  	s17 =	sld [smem:$0x3FFB];
	_ =	sdelay $0x3  }
0x92: {  	_ =	strace s17  }
0x93: {  	s2 =	sld [smem:$0x3FFC];
	_ =	sdelay $0x3  }
0x94: {  	_ =	strace s2  }
0x95: {  	s2 =	sld [smem:$0x3FFD];
	_ =	sdelay $0x3  }
0x96: {  	_ =	strace s2  }
0x97: {  	_ =	strace $0x8FFFFFFF  }
0x98: {  	s18 =	sld [smem:$0x3FDB];
	_ =	sdelay $0x1  }
0x99: {  	s19 =	simm.s32 $_scs_section_size  }
0x9a: {  	s4 =	simm.s32 $_size__tile_overlayer_lowered;
	s5 =	simm.s32 $_tile_overlayer_lowered  }
0x9b: {  	s22 =	simm.s32 $0x1BFF;
	s21 =	sshll.u32 s5, $0x1;
	s2 =	sadd.s32 s19, s18  }
0x9c: {  	s6 =	simm.s32 $0x0;
	s20 =	sshll.u32 s4, $0x1;
	s4 =	sadd.s32 s21, s2  }
0x9d: {  	[timem:s6], [sflag:s22] =	dma.local [hbm:s4], s20  }
0x9e: {  	_ =	swait.ge [sflag:s22], s20  }
0x9f: {  	s3 =	ssub.s32 $0x0, s20;
	[sflag:s22] =	ssyncset.done $0x0  }
0xa0: {  	[sflag:s22] =	ssyncadd.s32 s3;
	_ =	sdelay $0x1  }
0xa1: {  	s23 =	simm.s32 $0x1B8B  }
0xa2: {  	_ =	swait.ge [sflag:s23], $0x1  }
0xa3: {  	[sflag:s23] =	ssyncset.done $0x0  }
0xa4: {  	s25 =	simm.s32 $0x1B8E;
	s24 =	sld [smem:$0x3FFE];
	[sflag:s23] =	ssyncadd.s32 $0xFFFFFFFF  }
0xa5: {  	s26 =	simm.s32 $execute0_lowered;
	[smem:$0x3FD2] =	sst s25  }
0xa6: {  	s4 =	sshll.u32 s26, $0x1;
	_ =	strace $0x80000046;
	[dreg:$0x1] =	wrdreg $0xFFFFFFFF  }
0xa7: {  	s28 =	simm.s32 $_size_execute0_lowered;
	s2 =	sadd.s32 s2, s4;
	[dreg:$0x0] =	wrdreg $0x0  }
0xa8: {  	s4 =	sshll.u32 s28, $0x1;
	[dreg:$0x2] =	wrdreg s2  }
0xa9: {  	[dreg:$0x3] =	wrdreg s4  }
0xaa: {  	[dreg:$0x4] =	wrdreg $0xC0  }
0xab: {  	_ =	task [dreg:s6], $0x5FFFF  }
0xac: {  	[dreg:$0x1] =	wrdreg $0xFFFFFFFF  }
0xad: {  	[dreg:$0x0] =	wrdreg $0x60  }
0xae: {  	[dreg:$0x2] =	wrdreg s24  }
0xaf: {  	[dreg:$0x3] =	wrdreg $0x9  }
0xb0: {  	_ =	task.clear_ibuf [dreg:s6], $0x4FFFF;
	_ =	strace $0x90000046  }
0xb1: {  	s29 =	simm.s32 $0x9;
	_ =	strace $0x80000048  }
0xb2: {  	_ =	swait.ge [sflag:s29], $0x1  }
0xb3: {  	[sflag:s29] =	ssyncadd.s32 $0xFFFFFFFF  }
0xb4: {  	_ =	strace $0x90000048  }
0xb5: {  	_ =	sfence  }
0xb6: {  	s30 =	sld [smem:$0x0];
	_ =	sdelay $0x2  }
0xb7: {  	s31 =	sshll.u32 s1, $0xD;
	s1 =	sshrl.u32 s1, $0x2  }
0xb8: {  	s3 =	sand.u32 $0x4000, s31;
	s1 =	sadd.s32 s1, s30  }
0xb9: {  	s0 =	sor.u32 s3, s0;
	s1 =	sshll.u32 s1, $0x11  }
0xba: {  	s0 =	sor.u32 s1, s0  }
0xbb: {  	s0 =	sadd.s32 $0x8F2B, s0  }
0xbc: {  	[sflag:s0] =	ssyncadd.remote.s32 $0x1  }
0xbd: {  	_ =	sfence.sel $0xFFFF  }
0xbe: {  	[dreg:$0x0] =	wrdreg $0xFFFFFFFF;
	(pc) =	sbr.abs _section_cstart, $3  }
0xbf: {  	[dreg:$0x1] =	wrdreg $0xFFFFFFFF  }
0xc0: {  	_ =	task.clear_ibuf [dreg:s6], $0x2FFFF;
	_ =	strace $0x9FFFFFFF  }
0xc1: {  	(tm) =	ssettm $0x7FFFFFFF  }
tec
execute0_lowered:
.L_overlay_start_1:
0x0: {  	(tag) =	ssettag $0x1  }
0x1: {  	s4 =	rddreg [dreg:$0x0]  }
0x2: {  	s0 =	rddreg [dreg:$0x1]  }
0x3: {  	s2 =	simm.s32 $0x0;
	s3 =	srdreg.scid;
	s1 =	stileid.u32  }
0x4: {  	s10 =	simm.f32 $0.0e+00;
	s11 =	simm.s32 $0x4400;
	s12 =	simm.s32 $0x0  }
0x5: {  	[smem:$0x7FF] =	sst s2;
	s3 =	sand.u32 $0x1, s3;
	s5 =	sshll.u32 s1, $0x1  }
0x6: {  	s6 =	sadd.s32 $0x800, s4;
	_ =	strace $0x80000047;
	s5 =	sor.u32 s3, s5  }
0x7: {  	s8 =	ssub.s32 $0x2, s3;
	s3 =	sadd.s32 $0x10600, s4;
	s9 =	smul.u32 $0x3F48, s5  }
0x8: {  	s7 =	sshll.u32 s5, $0x4;
	s28 =	sshrl.u32 s8, $0x1;
	s29 =	sand.u32 $0x3, s5  }
0x9: {  	s7 =	sadd.s32 s7, s4;
	s8 =	ssub.s32 s8, s28;
	s30 =	sadd.s32 $0x3F48, s9  }
0xa: {  	p0 =	seq.s32 s29, $0x3;
	s31 =	sshrl.u32 s9, $0x3;
	s5 =	sshrl.u32 s30, $0x3  }
0xb: {  	vm0 =	vcmask $0x1B00;
	s10 =	simm.s32 @!p0 $0x31054D21;
	s9 =	simm.s32 $0x3F48;
	s5 =	simm.s32 @p0 $0x0  }
0xc: {  	v2 =	vimm.f32 $0.0e+00;
	vm1 =	vcmask $0x1F00;
	s4 =	sadd.s32 s6, s31;
	v1 =	vmov s10;
	s10 =	simm.s32 $0x4100;
	s5 =	sadd.s32 s6, s5  }
0xd: {  	v0 =	vsel vm0, $0x3F800000, v2;
	v2 =	vsel vm1, $0x3F800000, v2;
	s6 =	sadd.s32 $0x10800, s7;
	s7 =	smax.u32 s8, $0x1;
	s8 =	simm.s32 $0x1  }
.LBB2_1:
0xe: {  	[tilespmem:s2], [sflag:$0x1] =	stream.linear.gather [hbm4b:s4+s2], $0x3F48, $0x38;
	[tilespmem:$0x4480] =	vst v63  }
0xf: {  	_ =	swait.ge [sflag:s8], $0x3F48  }
0x10: {  	[sflag:s8] =	ssyncset.done $0x0  }
0x11: {  	[sflag:s8] =	ssyncadd.s32 $0xFFFFC0B8  }
0x12: {  	[tilespmem:s9], [sflag:$0x1] =	stream.linear.gather [hbm4b:s5+s2], $0x178, $0x38;
	[tilespmem:$0x4480] =	vst v63  }
0x13: {  	_ =	swait.ge [sflag:s8], $0x178  }
0x14: {  	s13 =	simm.s32 $0x10;
	[sflag:s8] =	ssyncset.done $0x0  }
0x15: {  	s13 =	smul.u32 $0x2D83, s13;
	[sflag:s8] =	ssyncadd.s32 $0xFFFFFE88  }
0x16: {  	[tilespmem:s10], [sflag:$0x1] =	stream.linear.gather [hbm4b:s3+s2], $0x300, $0x38;
	[tilespmem:$0x4480] =	vst v63  }
0x17: {  	_ =	swait.ge [sflag:s8], $0x300  }
0x18: {  	s14 =	sadd.s32 $0xFFFD27D0, s13;
	[sflag:s8] =	ssyncset.done $0x0  }
0x19: {  	s14 =	sshrl.u32 s14, $0x17;
	[sflag:s8] =	ssyncadd.s32 $0xFFFFFD00  }
0x1a: {  	s14 =	smul.u32 $0x2D0, s14;
	v3 =	vld [tilespmem:s2+$0x0]  }
0x1b: {  	v4 =	vld [tilespmem:s2+$0x1]  }
0x1c: {  	s15 =	simm.s32 $0x30;
	s14 =	ssub.s32 $0x10, s14;
	v5 =	vld [tilespmem:s2+$0x178]  }
0x1d: {  	s15 =	smul.u32 $0x2D83, s15;
	s14 =	sadd.s32 $0xFFFFFFF0, s14;
	v6 =	vld [tilespmem:s2+$0x168]  }
0x1e: {  	s14 =	sand.u32 $0xFFFF, s14;
	v8 =	vld [tilespmem:s2+$0x10]  }
0x1f: {  	s29 =	sadd.s32 $0xFFFD27D0, s15;
	s13 =	sshrl.u32 s13, $0x17;
	v7 =	vld [tilespmem:s14+$0x4100]  }
0x20: {  	s17 =	simm.s32 $0x20;
	s13 =	smul.u32 $0x2D0, s13;
	v9 =	vld [tilespmem:s2+$0x11];
	s14 =	sshrl.u32 s29, $0x17;
	v4 =	vsub.f32 v4, v3  }
0x21: {  	v10 =	vld [tilespmem:s17+$0x0];
	s14 =	smul.u32 $0x2D0, s14;
	v11 =	vmul.f32 v3, v3  }
0x22: {  	s13 =	ssub.s32 $0x10, s13;
	v12 =	vld [tilespmem:s17+$0x1];
	v6 =	vsub.f32 v6, v3;
	v4 =	vmul.f32 v4, v4  }
0x23: {  	s16 =	sand.u32 $0xFFFF, s13;
	v13 =	vld [tilespmem:s17+$0x168];
	s14 =	ssub.s32 $0x30, s14;
	v11 =	vmul.f32 $1.948302500e-06, v11  }
0x24: {  	v14 =	vld [tilespmem:s16+$0x4100];
	s14 =	sadd.s32 $0xFFFFFFF0, s14;
	v6 =	vmul.f32 v6, v6;
	v4 =	vmul.f32 v7, v4  }
0x25: {  	s13 =	simm.s32 $0x50;
	v3 =	vld [tilespmem:s17+$0x178];
	v9 =	vsub.f32 v9, v8;
	s14 =	sand.u32 $0xFFFF, s14;
	v15 =	vmul.f32 v8, v8  }
0x26: {  	s16 =	smul.u32 $0x2D83, s13;
	v5 =	vsub.f32 v5, v8;
	v6 =	vmul.f32 $1.939789000e-09, v6;
	v4 =	vadd.f32 v4, v11;
	v11 =	vld [tilespmem:s14+$0x4100]  }
0x27: {  	v12 =	vsub.f32 v12, v10;
	v8 =	vmul.f32 $1.948302500e-06, v15;
	v15 =	vld [tilespmem:s17+$0x11]  }
0x28: {  	s31 =	sshrl.u32 s15, $0x17;
	s15 =	simm.s32 $0x40;
	s30 =	sadd.s32 $0xFFFD27D0, s16;
	v9 =	vmul.f32 v9, v9;
	v5 =	vmul.f32 v5, v5;
	v7 =	vld [tilespmem:s17+$0x10];
	v4 =	vadd.f32 v6, v4  }
0x29: {  	v13 =	vsub.f32 v13, v10;
	v16 =	vmul.f32 v10, v10;
	v10 =	vld [tilespmem:s15+$0x1];
	v12 =	vmul.f32 v12, v12;
	s17 =	smul.u32 $0x2D0, s31;
	s14 =	sshrl.u32 s30, $0x17  }
0x2a: {  	v9 =	vmul.f32 v14, v9;
	v18 =	vmul.f32 $1.939789000e-09, v5;
	v5 =	vld [tilespmem:s15+$0x10];
	s14 =	smul.u32 $0x2D0, s14;
	v8 =	vadd.f32 v8, v4  }
0x2b: {  	v16 =	vmul.f32 $1.948302500e-06, v16;
	v6 =	vld [tilespmem:s15+$0x0];
	v17 =	vmul.f32 v11, v12  }
0x2c: {  	v13 =	vmul.f32 v13, v13;
	s17 =	ssub.s32 $0x30, s17;
	s18 =	ssub.s32 $0x50, s14;
	v4 =	vld [tilespmem:s15+$0x178];
	v8 =	vadd.f32 v9, v8  }
0x2d: {  	s17 =	sand.u32 $0xFFFF, s17;
	s14 =	simm.s32 $0x70;
	v14 =	vmul.f32 v7, v7;
	s19 =	sadd.s32 $0xFFFFFFF0, s18;
	v11 =	vld [tilespmem:s15+$0x168];
	v12 =	vsub.f32 v15, v7;
	v15 =	vadd.f32 v17, v16  }
0x2e: {  	s18 =	simm.s32 $0x90;
	s19 =	sand.u32 $0xFFFF, s19;
	v9 =	vld [tilespmem:s17+$0x4100];
	s17 =	smul.u32 $0x2D83, s14;
	v16 =	vmul.f32 $1.939789000e-09, v13;
	v13 =	vadd.f32 v18, v8;
	v8 =	vimm.f32 $0.0e+00  }
.LBB2_2:
0x2f: {  	_ = 	snop  }
0x30: {  	p0 =	sne.s32 s18, $0x3DD0;
	v17 =	vld [tilespmem:s19+$0x4100];
	v18 =	vsub.f32 v10, v6;
	v7 =	vsub.f32 v3, v7;
	v14 =	vmul.f32 $1.948302500e-06, v14;
	s16 =	sshrl.u32 s16, $0x17;
	s19 =	sadd.s32 $0xFFFD27D0, s17  }
0x31: {  	v12 =	vmul.f32 v12, v12;
	v19 =	vld [tilespmem:s15+$0x11];
	s15 =	sadd.s32 $0x20, s15;
	v15 =	vadd.f32 v16, v15;
	v8 =	vadd.f32 v13, v8;
	v3 =	vmovc v4;
	s20 =	smul.u32 $0x2D0, s16;
	s19 =	sshrl.u32 s19, $0x17  }
0x32: {  	v13 =	vmul.f32 v6, v6;
	s16 =	smov.u32 s17;
	v11 =	vsub.f32 v11, v6;
	v6 =	vld [tilespmem:s15+$0x0];
	v16 =	vmul.f32 v7, v7;
	s17 =	smul.u32 $0x2D0, s19  }
.Ltmp0:
0x33: {  	v18 =	vmul.f32 v18, v18;
	v10 =	vld [tilespmem:s15+$0x1];
	v14 =	vadd.f32 v14, v15;
	v9 =	vmul.f32 v9, v12;
	(pc) =	sbr.rel @p0 .LBB2_2-.Ltmp0, $4  }
0x34: {  	v13 =	vmul.f32 $1.948302500e-06, v13;
	s19 =	ssub.s32 s13, s20;
	s13 =	smov.u32 s14;
	s14 =	smov.u32 s18;
	v4 =	vld [tilespmem:s15+$0x178];
	v20 =	vmul.f32 v11, v11;
	v7 =	vmov v5  }
0x35: {  	s19 =	sand.u32 $0xFFFF, s19;
	v11 =	vld [tilespmem:s15+$0x168];
	s17 =	ssub.s32 s13, s17;
	v15 =	vmul.f32 v17, v18;
	v17 =	vadd.f32 v9, v14;
	v18 =	vmul.f32 $1.939789000e-09, v16  }
0x36: {  	v14 =	vmul.f32 v5, v7;
	s20 =	sadd.s32 $0xFFFFFFF0, s17;
	v9 =	vld [tilespmem:s19+$0x4100];
	v12 =	vsub.f32 v19, v7  }
0x37: {  	s18 =	sadd.s32 $0x20, s18;
	s17 =	smul.u32 $0x2D83, s14;
	v16 =	vmul.f32 $1.939789000e-09, v20;
	s19 =	sand.u32 $0xFFFF, s20;
	v5 =	vld [tilespmem:s15+$0x10];
	v15 =	vadd.f32 v15, v13;
	v13 =	vadd.f32 v18, v17  }
0x38: {  	_ = 	snop  }
0x39: {  	s18 =	sadd.s32 $0xFFFD27D0, s17  }
0x3a: {  	v17 =	vld [tilespmem:s19+$0x4100];
	s23 =	sadd.s32 $0x20, s15;
	s18 =	sshrl.u32 s18, $0x17  }
0x3b: {  	v10 =	vsub.f32 v10, v6;
	v14 =	vmul.f32 $1.948302500e-06, v14;
	v3 =	vsub.f32 v3, v7;
	v18 =	vld [tilespmem:s23+$0x0];
	s18 =	smul.u32 $0x2D0, s18  }
0x3c: {  	v12 =	vmul.f32 v12, v12;
	v51 =	vld [tilespmem:s23+$0x1];
	v7 =	vsub.f32 v11, v6;
	v6 =	vmul.f32 v6, v6  }
0x3d: {  	v11 =	vld [tilespmem:s23+$0x168];
	v10 =	vmul.f32 v10, v10;
	v3 =	vmul.f32 v3, v3;
	s18 =	ssub.s32 s14, s18  }
0x3e: {  	v19 =	vld [tilespmem:s15+$0x11];
	s24 =	sshrl.u32 s16, $0x17;
	v15 =	vadd.f32 v16, v15;
	v9 =	vmul.f32 v9, v12;
	v6 =	vmul.f32 $1.948302500e-06, v6;
	s25 =	sadd.s32 $0xFFFFFFF0, s18  }
0x3f: {  	s15 =	smul.u32 $0x2D0, s24;
	v7 =	vmul.f32 v7, v7;
	v3 =	vmul.f32 $1.939789000e-09, v3;
	s16 =	sand.u32 $0xFFFF, s25  }
0x40: {  	v14 =	vadd.f32 v14, v15;
	v54 =	vmul.f32 v5, v5;
	v10 =	vmul.f32 v17, v10;
	v53 =	vld [tilespmem:s16+$0x4100]  }
0x41: {  	v52 =	vld [tilespmem:s23+$0x10];
	s26 =	sshrl.u32 s17, $0x17;
	s13 =	ssub.s32 s13, s15;
	v4 =	vsub.f32 v4, v5;
	v55 =	vsub.f32 v51, v18;
	v7 =	vmul.f32 $1.939789000e-09, v7  }
0x42: {  	v56 =	vld [tilespmem:s23+$0x11];
	s15 =	smul.u32 $0x2D0, s26;
	s13 =	sand.u32 $0xFFFF, s13;
	v6 =	vadd.f32 v10, v6;
	v10 =	vsub.f32 v11, v18;
	v11 =	vmul.f32 v18, v18  }
0x43: {  	v58 =	vld [tilespmem:s13+$0x4100];
	v19 =	vsub.f32 v19, v5;
	v5 =	vmul.f32 $1.948302500e-06, v54;
	v15 =	vmul.f32 v55, v55  }
0x44: {  	v8 =	vadd.f32 v13, v8;
	v57 =	vld [tilespmem:s23+$0x178];
	s28 =	ssub.s32 s14, s15;
	v4 =	vmul.f32 v4, v4;
	v11 =	vmul.f32 $1.948302500e-06, v11  }
0x45: {  	s13 =	sand.u32 $0xFFFF, s28;
	v6 =	vadd.f32 v7, v6;
	v7 =	vmul.f32 v10, v10;
	v10 =	vmul.f32 v53, v15  }
0x46: {  	v9 =	vadd.f32 v9, v14;
	v62 =	vmul.f32 v52, v52;
	v59 =	vmul.f32 v19, v19;
	v60 =	vld [tilespmem:s13+$0x4100]  }
0x47: {  	v61 =	vsub.f32 v56, v52;
	v7 =	vmul.f32 $1.939789000e-09, v7;
	v10 =	vadd.f32 v10, v11  }
0x48: {  	s29 =	simm.s32 $0x3DE0;
	v63 =	vmul.f32 $1.948302500e-06, v62;
	v5 =	vadd.f32 v5, v6;
	v6 =	vmul.f32 v58, v59  }
0x49: {  	s30 =	smul.u32 $0x2D83, s29;
	v11 =	vsub.f32 v57, v52;
	v7 =	vadd.f32 v7, v10;
	v10 =	vmul.f32 v61, v61  }
0x4a: {  	v3 =	vadd.f32 v3, v9;
	v9 =	vld [tilespmem:s29+$0x0];
	v4 =	vmul.f32 $1.939789000e-09, v4;
	v5 =	vadd.f32 v6, v5  }
0x4b: {  	s14 =	sshrl.u32 s30, $0x17;
	v6 =	vmul.f32 v11, v11;
	v11 =	vld [tilespmem:s29+$0x1];
	v7 =	vadd.f32 v63, v7;
	v10 =	vmul.f32 v60, v10  }
0x4c: {  	s14 =	smul.u32 $0x2D0, s14;
	v3 =	vadd.f32 v3, v8;
	v4 =	vadd.f32 v4, v5  }
0x4d: {  	s13 =	simm.s32 $0x3DF0;
	v6 =	vmul.f32 $1.939789000e-09, v6;
	v5 =	vadd.f32 v10, v7;
	v7 =	vld [tilespmem:s29+$0x168]  }
0x4e: {  	s14 =	ssub.s32 $0x3DE0, s14;
	s31 =	smul.u32 $0x2D83, s13;
	v4 =	vadd.f32 v4, v3;
	v3 =	vld [tilespmem:s13+$0x0]  }
0x4f: {  	s14 =	sand.u32 $0xFFFF, s14;
	v5 =	vadd.f32 v6, v5  }
0x50: {  	s15 =	sshrl.u32 s31, $0x17;
	v10 =	vsub.f32 v11, v9;
	v11 =	vmul.f32 v9, v9;
	v6 =	vld [tilespmem:s14+$0x4100]  }
0x51: {  	s16 =	smul.u32 $0x2D0, s15;
	v8 =	vadd.f32 v5, v4;
	v4 =	vld [tilespmem:s13+$0x1]  }
0x52: {  	s15 =	simm.s32 $0x3DF0;
	s14 =	simm.s32 $0x3E00;
	v10 =	vmul.f32 v10, v10;
	v5 =	vld [tilespmem:s13+$0x168];
	v7 =	vsub.f32 v7, v9;
	v9 =	vmul.f32 $1.948302500e-06, v11  }
.LBB2_4:
0x53: {  	v11 =	vmov v3;
	s17 =	smul.u32 $0x2D83, s14;
	s16 =	ssub.s32 s13, s16  }
0x54: {  	s15 =	sadd.s32 $0x10, s15;
	v12 =	vmov v3;
	s13 =	smov.u32 s14;
	p0 =	sne.s32 s14, $0x3F30  }
.Ltmp1:
0x55: {  	s14 =	sadd.s32 $0x10, s14;
	v7 =	vmul.f32 v7, v7;
	s16 =	sand.u32 $0xFFFF, s16;
	v8 =	vadd.f32 v9, v8;
	v9 =	vmul.f32 v6, v10;
	v3 =	vld [tilespmem:s15+$0x0];
	(pc) =	sbr.rel @p0 .LBB2_4-.Ltmp1, $4  }
0x56: {  	v10 =	vsub.f32 v4, v12;
	v6 =	vld [tilespmem:s16+$0x4100]  }
0x57: {  	v11 =	vmul.f32 v11, v12;
	v13 =	vmul.f32 v7, v1;
	s16 =	sshrl.u32 s17, $0x17;
	v8 =	vadd.f32 v9, v8;
	v4 =	vld [tilespmem:s15+$0x1]  }
0x58: {  	s16 =	smul.u32 $0x2D0, s16;
	v7 =	vsub.f32 v5, v12  }
0x59: {  	v9 =	vmul.f32 $1.948302500e-06, v11;
	v10 =	vmul.f32 v10, v10;
	v8 =	vadd.f32 v13, v8;
	v5 =	vld [tilespmem:s15+$0x168]  }
0x5a: {  	v51 =	vld [tilespmem:$0x3F40]  }
0x5b: {  	s13 =	ssub.s32 s13, s16;
	v52 =	vld [tilespmem:$0x3F41]  }
0x5c: {  	v7 =	vmul.f32 v7, v7;
	v53 =	vld [tilespmem:$0x40A8];
	s13 =	sand.u32 $0xFFFF, s13;
	v8 =	vadd.f32 v9, v8;
	v6 =	vmul.f32 v6, v10  }
0x5d: {  	v12 =	vmul.f32 v3, v3;
	v11 =	vld [tilespmem:s13+$0x4100]  }
0x5e: {  	v7 =	vmul.f32 v7, v1;
	v4 =	vsub.f32 v4, v3;
	v6 =	vadd.f32 v6, v8  }
0x5f: {  	v55 =	vmul.f32 $1.948302500e-06, v12  }
0x60: {  	v3 =	vsub.f32 v5, v3;
	v4 =	vmul.f32 v4, v4;
	v54 =	vadd.f32 v7, v6  }
0x61: {  	v56 =	vmul.f32 v51, v51;
	v57 =	vsub.f32 v52, v51;
	v8 =	vsub.f32 v53, v51  }
0x62: {  	v3 =	vmul.f32 v3, v3;
	v5 =	vadd.f32 v55, v54;
	v4 =	vmul.f32 v11, v4  }
0x63: {  	v58 =	vld [tilespmem:$0x4260];
	v6 =	vmul.f32 v2, v56;
	v59 =	vmul.f32 v0, v57  }
0x64: {  	v60 =	vmul.f32 v2, v8;
	v3 =	vmul.f32 v3, v1;
	v4 =	vadd.f32 v4, v5  }
0x65: {  	v6 =	vmul.f32 $1.948302500e-06, v6  }
0x66: {  	v61 =	vmul.f32 v59, v59;
	v62 =	vmul.f32 v60, v60;
	v3 =	vadd.f32 v3, v4;
	_ =	sdelay $0x1  }
0x67: {  	v4 =	vmul.f32 v61, v58;
	v5 =	vmul.f32 v2, v62;
	v3 =	vadd.f32 v6, v3;
	_ =	sdelay $0x1  }
0x68: {  	v63 =	vmul.f32 v5, v1;
	v3 =	vadd.f32 v4, v3;
	_ =	sdelay $0x1  }
0x69: {  	s12 =	sadd.s32 $0x1, s12;
	v3 =	vadd.f32 v63, v3  }
0x6a: {  	p0 =	sne.s32 s12, s7  }
.Ltmp2:
0x6b: {  	[tilespmem:$0x4400] =	vst v3;
	(pc) =	sbr.rel @p0 .LBB2_1-.Ltmp2, $4  }
0x6c: {  	[hbm4b:s6+s2] =	stream.linear.scatter [tilespmem:s11], [sflag:$0x1], $0x80, $0x38;
	[tilespmem:$0x4480] =	vst v63  }
0x6d: {  	_ =	swait.ge [sflag:s8], $0x80  }
0x6e: {  	[sflag:s8] =	ssyncset.done $0x0  }
0x6f: {  	[sflag:s8] =	ssyncadd.s32 $0xFFFFFF80  }
0x70: {  	_ =	sfence.sel $0x180000  }
0x71: {  	[bflag:$0x0] =	sbarrier.arrive $0xFFFF  }
0x72: {  	p0 =	sne.s32 s1, $0x0;
	_ =	strace $0x90000047  }
0x73: {  	s0 =	sadd.s32 @!p0 $0x100000, s0;
	[bflag:$0x2] =	sbarrier.arrive $0xFFFF  }
0x74: {  	[sflag:s0] =	ssyncadd.tile.s32 @!p0 $0x1;
	_ =	shalt  }
.Lfunc_end2:
_tile_overlayer_lowered:
.L_overlay_start_2:
0x75: {  	(tag) =	ssettag $0x2  }
0x76: {  	s0 =	rddreg [dreg:$0x0];
	s2 =	stileid.u32  }
0x77: {  	s1 =	rddreg [dreg:$0x1];
	p0 =	sne.s32 s2, $0x0  }
0x78: {  	s3 =	rddreg [dreg:$0x2];
	[bflag:$0x3] =	sbarrier.arrive $0xFFFF;
	s2 =	simm.s32 @!p0 $0x1C01  }
0x79: {  	[timem:s3], [sflag:s2] =	dma.local @!p0 [hbm:s0], s1  }
0x7a: {  	s0 =	simm.s32 @!p0 $0x1  }
0x7b: {  	_ =	swait.ge @!p0 [sflag:s0], s1  }
0x7c: {  	s1 =	ssub.s32 @!p0 $0x0, s1;
	[sflag:s0] =	ssyncset.done @!p0 $0x0  }
0x7d: {  	[sflag:s0] =	ssyncadd.s32 @!p0 s1  }
0x7e: {  	[bflag:$0x3] =	sbarrier.arrive $0xFFFF  }
0x7f: {  	_ =	shalt  }

</sc_bundles>
